<compile_context>
chip_gen: v7x
topology: tpu7x:2x2x1
jax: 0.10.2.dev20260603
libtpu: 0.0.44.dev20260713+nightly
codegen_flags: <defaults>
</compile_context>

<pallas_src>
import dataclasses
import functools
import math

import jax
import jax.numpy as jnp
from jax import lax
from jax.experimental import pallas as pl
from jax.experimental.pallas import tpu as pltpu
from jax.experimental.pallas import tpu_sc as plsc

N = 10000
E = 320000
D = 128
EB = 128
NCHUNK = E // EB
NC = 2
NSUB = 16
NW = NC * NSUB
BLKR = 80
NBLK = N // BLKR
INV_SQRT_D = 1.0 / math.sqrt(D)
NSLAB = 79
KPAD = NSLAB * 128

_mesh = plsc.VectorSubcoreMesh(core_axis_name="c", subcore_axis_name="s")

_sc_params = pltpu.CompilerParams()
if "needs_layout_passes" in pltpu.CompilerParams.__dataclass_fields__:
    _sc_params = dataclasses.replace(_sc_params, needs_layout_passes=False)


def _zero_accumulator(sub, z_hbm, acc_sh):
    @pl.loop(sub, NBLK, step=NSUB)
    def _(b):
        pltpu.sync_copy(z_hbm, acc_sh.at[pl.ds(b * BLKR, BLKR)])


def _writeback(core, sub, acc_sh, out_hbm):
    @pl.loop(sub, NBLK, step=NSUB)
    def _(b):
        pltpu.sync_copy(acc_sh.at[pl.ds(b * BLKR, BLKR)],
                        out_hbm.at[core, pl.ds(b * BLKR, BLKR)])


@jax.jit
def _sc_agg(x, src, dst, zblk):

    @functools.partial(
        pl.kernel,
        mesh=_mesh,
        out_type=jax.ShapeDtypeStruct((NC, N, D), jnp.float32),
        scratch_types=[
            pltpu.VMEM((EB,), jnp.int32),
            pltpu.VMEM((EB,), jnp.int32),
            pltpu.VMEM((EB, D), jnp.float32),
            pltpu.VMEM_SHARED((N, D), jnp.float32),
        ],
        compiler_params=_sc_params,
    )
    def k(x_hbm, src_hbm, dst_hbm, z_hbm, out_hbm, si_v, di_v, rows_v,
          acc_sh):
        core = lax.axis_index("c")
        sub = lax.axis_index("s")
        w = core * NSUB + sub
        _zero_accumulator(sub, z_hbm, acc_sh)
        plsc.subcore_barrier()

        @pl.loop(w, NCHUNK, step=NW)
        def _(t):
            pltpu.sync_copy(src_hbm.at[t], si_v)
            pltpu.sync_copy(dst_hbm.at[t], di_v)
            pltpu.sync_copy(x_hbm.at[si_v], rows_v)
            pltpu.sync_copy(rows_v, acc_sh.at[di_v], add=True)

        plsc.subcore_barrier()
        _writeback(core, sub, acc_sh, out_hbm)

    return k(x, src, dst, zblk)


@jax.jit
def _sc_attn(gsc, v, s2, d2, zblk):

    @functools.partial(
        pl.kernel,
        mesh=_mesh,
        out_type=jax.ShapeDtypeStruct((NC, N, D), jnp.float32),
        scratch_types=[
            pltpu.VMEM((EB,), jnp.int32),
            pltpu.VMEM((EB,), jnp.int32),
            pltpu.VMEM((EB,), jnp.int32),
            pltpu.VMEM((EB,), jnp.float32),
            pltpu.VMEM((EB, D), jnp.float32),
            pltpu.VMEM_SHARED((N, D), jnp.float32),
        ],
        compiler_params=_sc_params,
    )
    def k(g_hbm, v_hbm, s2_hbm, d2_hbm, z_hbm, out_hbm, si_v, di_v, fi_v,
          sc_v, vr, acc_sh):
        core = lax.axis_index("c")
        sub = lax.axis_index("s")
        w = core * NSUB + sub
        _zero_accumulator(sub, z_hbm, acc_sh)
        plsc.subcore_barrier()

        @pl.loop(w, NCHUNK, step=NW)
        def _(t):
            pltpu.sync_copy(s2_hbm.at[t], si_v)
            pltpu.sync_copy(d2_hbm.at[t], di_v)
            slabw = jnp.full((16,), N * D, dtype=jnp.int32)
            dmul = jnp.full((16,), D, dtype=jnp.int32)
            seven = jnp.full((16,), 7, dtype=jnp.int32)
            low = jnp.full((16,), 127, dtype=jnp.int32)
            for cc in range(EB // 16):
                sl = pl.ds(cc * 16, 16)
                s16 = si_v[sl]
                fi_v[sl] = (lax.shift_right_logical(s16, seven) * slabw
                            + di_v[sl] * dmul + (s16 & low))
            pltpu.sync_copy(v_hbm.at[si_v], vr)
            pltpu.sync_copy(g_hbm.at[fi_v], sc_v)

            @pl.loop(0, EB // 16)
            def _(jc):
                s16 = sc_v[pl.ds(jc * 16, 16)]
                for j2 in range(16):
                    lane = jnp.full((16,), j2, dtype=jnp.int32)
                    scb = jnp.take_along_axis(s16, lane, axis=0,
                                              mode="promise_in_bounds")
                    j = jc * 16 + j2
                    for cc in range(D // 16):
                        sl = pl.ds(cc * 16, 16)
                        vr[j, sl] = vr[j, sl] * scb

            pltpu.sync_copy(vr, acc_sh.at[di_v], add=True)

        plsc.subcore_barrier()
        _writeback(core, sub, acc_sh, out_hbm)

    return k(gsc, v, s2, d2, zblk)


def _tc_qkv(x, wq, wk, wv):
    BR = 1000

    def body(x_ref, wq_ref, wk_ref, wv_ref, q_ref, k_ref, v_ref):
        xb = x_ref[...]
        q_ref[...] = jnp.dot(xb, wq_ref[...],
                             preferred_element_type=jnp.float32)
        k_ref[...] = jnp.dot(xb, wk_ref[...],
                             preferred_element_type=jnp.float32)
        v_ref[...] = jnp.dot(xb, wv_ref[...],
                             preferred_element_type=jnp.float32)

    w_spec = pl.BlockSpec((D, D), lambda i: (0, 0))
    r_spec = pl.BlockSpec((BR, D), lambda i: (i, 0))
    return pl.pallas_call(
        body,
        grid=(N // BR,),
        in_specs=[r_spec, w_spec, w_spec, w_spec],
        out_specs=[r_spec, r_spec, r_spec],
        out_shape=[jax.ShapeDtypeStruct((N, D), jnp.float32)] * 3,
    )(x, wq, wk, wv)


def _tc_scores(q, kp):

    def body(q_ref, k_ref, g_ref):
        g_ref[0] = lax.dot_general(
            q_ref[...], k_ref[...], (((1,), (1,)), ((), ())),
            preferred_element_type=jnp.float32) * INV_SQRT_D

    return pl.pallas_call(
        body,
        grid=(NSLAB,),
        in_specs=[
            pl.BlockSpec((N, D), lambda b: (0, 0)),
            pl.BlockSpec((D, D), lambda b: (b, 0)),
        ],
        out_specs=pl.BlockSpec((1, N, D), lambda b: (b, 0, 0)),
        out_shape=jax.ShapeDtypeStruct((NSLAB, N, D), jnp.float32),
    )(q, kp)


def _tc_combine(x, aggp, gatp, w0, w1):
    BR = 1000

    def body(x_ref, a_ref, g_ref, w0_ref, w1_ref, o_ref):
        xb = x_ref[...]
        agg = a_ref[0] + a_ref[1]
        gat = g_ref[0] + g_ref[1]
        gcn = (jnp.dot(xb, w0_ref[...], preferred_element_type=jnp.float32)
               + jnp.dot(agg, w1_ref[...],
                         preferred_element_type=jnp.float32))
        o_ref[...] = (gcn * (1.0 / N) + xb * ((N - 1.0) / N)
                      - gat * (1.0 / float(N) ** 3))

    return pl.pallas_call(
        body,
        grid=(N // BR,),
        in_specs=[
            pl.BlockSpec((BR, D), lambda i: (i, 0)),
            pl.BlockSpec((NC, BR, D), lambda i: (0, i, 0)),
            pl.BlockSpec((NC, BR, D), lambda i: (0, i, 0)),
            pl.BlockSpec((D, D), lambda i: (0, 0)),
            pl.BlockSpec((D, D), lambda i: (0, 0)),
        ],
        out_specs=pl.BlockSpec((BR, D), lambda i: (i, 0)),
        out_shape=jax.ShapeDtypeStruct((N, D), jnp.float32),
    )(x, aggp, gatp, w0, w1)


def kernel(input, edge_index, edge_index_2, W0, W1, Wq, Wk, Wv):
    x = input
    src = edge_index[0].astype(jnp.int32).reshape(NCHUNK, EB)
    dst = edge_index[1].astype(jnp.int32).reshape(NCHUNK, EB)
    s2 = edge_index_2[0].astype(jnp.int32).reshape(NCHUNK, EB)
    d2 = edge_index_2[1].astype(jnp.int32).reshape(NCHUNK, EB)
    zblk = jnp.zeros((BLKR, D), jnp.float32)
    q, k, v = _tc_qkv(x, Wq, Wk, Wv)
    kp = jnp.pad(k, ((0, KPAD - N), (0, 0))).astype(jnp.bfloat16)
    gsc = _tc_scores(q.astype(jnp.bfloat16), kp).reshape(NSLAB * N * D)
    aggp = _sc_agg(x, src, dst, zblk)
    zblk2 = zblk + aggp[0, :BLKR, :] * 0.0
    gatp = _sc_attn(gsc, v, s2, d2, zblk2)
    return _tc_combine(x, aggp, gatp, W0, W1)

# --- scband reference (transcript-rebuilt; emitter-appended) ---
"""Pipeline reference for scband-gd-block-81561428951752 (READ-ONLY COPY).

The authoritative reference and input builder live on the scoring server;
editing this copy changes nothing except your own understanding.
"""

import jax, jax.numpy as jnp
import numpy as np

N_NODES = 10000
N_EDGES = 320000
D_IN = 128
D_OUT = 128


def setup_inputs(seed: int = 0) -> dict:
    key = jax.random.key(seed)
    ks = jax.random.split(key, 8)
    x = jax.random.normal(ks[0], (N_NODES, D_IN), dtype=jnp.float32)
    edge_index = jax.random.randint(ks[1], (2, N_EDGES), 0, N_NODES, dtype=jnp.int64)
    edge_index_2 = jax.random.randint(ks[2], (2, N_EDGES), 0, N_NODES, dtype=jnp.int64)
    # TAGConv(K=1, normalize=False, bias=False): two linear maps, one per hop
    scale = 1.0 / np.sqrt(D_IN)
    W0 = jax.random.uniform(ks[3], (D_IN, D_OUT), dtype=jnp.float32, minval=-scale, maxval=scale)
    W1 = jax.random.uniform(ks[4], (D_IN, D_OUT), dtype=jnp.float32, minval=-scale, maxval=scale)
    # Transformer_Block: edge-wise dot-product attention (no softmax path used)
    Wq = jax.random.uniform(ks[5], (D_IN, D_OUT), dtype=jnp.float32, minval=-scale, maxval=scale)
    Wk = jax.random.uniform(ks[6], (D_IN, D_OUT), dtype=jnp.float32, minval=-scale, maxval=scale)
    Wv = jax.random.uniform(ks[7], (D_IN, D_OUT), dtype=jnp.float32, minval=-scale, maxval=scale)
    return {"input": x, "edge_index": edge_index, "edge_index_2": edge_index_2,
            "W0": W0, "W1": W1, "Wq": Wq, "Wk": Wk, "Wv": Wv}


def reference(input, edge_index, edge_index_2, W0, W1, Wq, Wk, Wv):
    x = input
    N = x.shape[0]
    # --- TAGConv, K=1, normalize=False, bias=False ---
    # out = x @ W0 + (A x) @ W1, where (A x)_i = sum_{j -> i} x_j
    src, dst = edge_index[0], edge_index[1]
    agg = jnp.zeros((N, x.shape[1]), dtype=x.dtype).at[dst].add(jnp.take(x, src, axis=0))
    gcn_out = x @ W0 + agg @ W1
    x_1 = gcn_out / N + (N - 1) / N * x
    # --- Transformer_Block with use_softmax=False ---
    q = x @ Wq
    k = x @ Wk
    v = x @ Wv
    s2, d2 = edge_index_2[0], edge_index_2[1]
    q_d = jnp.take(q, d2, axis=0)
    k_s = jnp.take(k, s2, axis=0)
    scores = jnp.sum(q_d * k_s, axis=-1) / jnp.sqrt(jnp.asarray(q.shape[-1], dtype=x.dtype))
    msg = scores[:, None] * jnp.take(v, s2, axis=0)
    gat_out = jnp.zeros((N, v.shape[1]), dtype=x.dtype).at[d2].add(msg)
    x_2 = gat_out / (float(N) ** 3)
    return x_1 - x_2

if __name__ == "__main__":
    import jax
    _d = setup_inputs()
    print(jax.jit(kernel)(*tuple(_d.values())))

</pallas_src>

<mosaic_0001>
#map = affine_map<(d0, d1) -> (0, 0)>
#map1 = affine_map<(d0, d1) -> (0, 0, 0)>
module attributes {stable_mosaic.version = 14 : i64} {
  func.func @k(%arg0: i32, %arg1: i32, %arg2: memref<10000x128xf32, #tpu.memory_space<hbm>>, %arg3: memref<2500x128xi32, #tpu.memory_space<hbm>>, %arg4: memref<2500x128xi32, #tpu.memory_space<hbm>>, %arg5: memref<80x128xf32, #tpu.memory_space<hbm>>, %arg6: memref<2x10000x128xf32, #tpu.memory_space<hbm>>, %arg7: memref<128xi32, #tpu.memory_space<vmem>>, %arg8: memref<128xi32, #tpu.memory_space<vmem>>, %arg9: memref<128x128xf32, #tpu.memory_space<vmem>>, %arg10: memref<10000x128xf32, #tpu.memory_space<vmem_shared>>) attributes {dimension_semantics = [#tpu.dimension_semantics<core_parallel>, #tpu.dimension_semantics<subcore_parallel>], iteration_bounds = array<i64: 2, 16>, scalar_prefetch = 0 : i64, scratch_operands = 4 : i64, tpu.core_type = #tpu.core_type<sc_vector_subcore>, window_params = [{transform_indices = #map}, {transform_indices = #map}, {transform_indices = #map}, {transform_indices = #map}, {transform_indices = #map1}]} {
    %mul3A = arith.constant 16 : i32
    %mul3A_0 = arith.muli %arg0, %mul3A : i32
    %add3A = arith.addi %mul3A_0, %arg1 : i32
    %sub3A = arith.constant 125 : i32
    %sub3A_1 = arith.subi %sub3A, %arg1 : i32
    %sub3A_2 = arith.constant 16 : i32
    %sub3A_3 = arith.constant 1 : i32
    %sub3A_4 = arith.subi %sub3A_2, %sub3A_3 : i32
    %add3A_5 = arith.addi %sub3A_1, %sub3A_4 : i32
    %div3A = arith.constant 16 : i32
    %div3A_6 = arith.divsi %add3A_5, %div3A : i32
    %while3A = arith.constant 16 : i32
    %while3A_7 = arith.constant 0 : i32
    %while3A_8 = arith.subi %div3A_6, %while3A_7 : i32
    %while3A_9 = arith.addi %while3A_7, %while3A_8 : i32
    %while3A_10 = arith.constant 1 : i32
    %while3A_11 = arith.divsi %while3A_8, %while3A_10 : i32
    %while3A_12 = arith.muli %while3A_11, %while3A_10 : i32
    %while3A_13 = arith.addi %while3A_7, %while3A_12 : i32
    %while3A_14 = arith.constant 1 : i32
    scf.for %while3A_53 = %while3A_7 to %while3A_13 step %while3A_14  : i32 {
      %mul3A_54 = arith.muli %while3A_53, %while3A : i32
      %add3A_55 = arith.addi %arg1, %mul3A_54 : i32
      %mul3A_56 = arith.constant 80 : i32
      %mul3A_57 = arith.muli %add3A_55, %mul3A_56 : i32
      "tpu.region"() ({
        %run_scoped3A = tpu.sem_alloc : memref<!tpu.dma_semaphore, #tpu.memory_space<semaphore_mem>>
        %dma_start3A = arith.constant 0 : i32
        %dma_start3A_58 = tpu.memref_slice %arg10[%mul3A_57, %dma_start3A] : memref<10000x128xf32, #tpu.memory_space<vmem_shared>> -> memref<80x128xf32, #tpu.memory_space<vmem_shared>>
        tpu.enqueue_dma source(%arg5 : memref<80x128xf32, #tpu.memory_space<hbm>>) target(%dma_start3A_58 : memref<80x128xf32, #tpu.memory_space<vmem_shared>>) target_semaphore(%run_scoped3A : memref<!tpu.dma_semaphore, #tpu.memory_space<semaphore_mem>>)
        %dma_wait3A = arith.constant 0 : i32
        %dma_wait3A_59 = tpu.memref_slice %arg10[%mul3A_57, %dma_wait3A] : memref<10000x128xf32, #tpu.memory_space<vmem_shared>> -> memref<80x128xf32, #tpu.memory_space<vmem_shared>>
        tpu.wait_dma2 semaphore(%run_scoped3A : memref<!tpu.dma_semaphore, #tpu.memory_space<semaphore_mem>>) src(%arg5 : memref<80x128xf32, #tpu.memory_space<hbm>>) dst(%dma_wait3A_59 : memref<80x128xf32, #tpu.memory_space<vmem_shared>>)
        tpu.yield
      }) : () -> ()
    }
    %while3A_15 = arith.constant 1 : i32
    scf.for %while3A_53 = %while3A_13 to %while3A_9 step %while3A_15  : i32 {
      %mul3A_54 = arith.muli %while3A_53, %while3A : i32
      %add3A_55 = arith.addi %arg1, %mul3A_54 : i32
      %mul3A_56 = arith.constant 80 : i32
      %mul3A_57 = arith.muli %add3A_55, %mul3A_56 : i32
      "tpu.region"() ({
        %run_scoped3A = tpu.sem_alloc : memref<!tpu.dma_semaphore, #tpu.memory_space<semaphore_mem>>
        %dma_start3A = arith.constant 0 : i32
        %dma_start3A_58 = tpu.memref_slice %arg10[%mul3A_57, %dma_start3A] : memref<10000x128xf32, #tpu.memory_space<vmem_shared>> -> memref<80x128xf32, #tpu.memory_space<vmem_shared>>
        tpu.enqueue_dma source(%arg5 : memref<80x128xf32, #tpu.memory_space<hbm>>) target(%dma_start3A_58 : memref<80x128xf32, #tpu.memory_space<vmem_shared>>) target_semaphore(%run_scoped3A : memref<!tpu.dma_semaphore, #tpu.memory_space<semaphore_mem>>)
        %dma_wait3A = arith.constant 0 : i32
        %dma_wait3A_59 = tpu.memref_slice %arg10[%mul3A_57, %dma_wait3A] : memref<10000x128xf32, #tpu.memory_space<vmem_shared>> -> memref<80x128xf32, #tpu.memory_space<vmem_shared>>
        tpu.wait_dma2 semaphore(%run_scoped3A : memref<!tpu.dma_semaphore, #tpu.memory_space<semaphore_mem>>) src(%arg5 : memref<80x128xf32, #tpu.memory_space<hbm>>) dst(%dma_wait3A_59 : memref<80x128xf32, #tpu.memory_space<vmem_shared>>)
        tpu.yield
      }) : () -> ()
    }
    %barrier3A = arith.constant 0 : index
    tpu.barrier barrier_id(%barrier3A)
    %sub3A_16 = arith.constant 2500 : i32
    %sub3A_17 = arith.subi %sub3A_16, %add3A : i32
    %sub3A_18 = arith.constant 32 : i32
    %sub3A_19 = arith.constant 1 : i32
    %sub3A_20 = arith.subi %sub3A_18, %sub3A_19 : i32
    %add3A_21 = arith.addi %sub3A_17, %sub3A_20 : i32
    %div3A_22 = arith.constant 32 : i32
    %div3A_23 = arith.divsi %add3A_21, %div3A_22 : i32
    %while3A_24 = arith.constant 32 : i32
    %while3A_25 = arith.constant 0 : i32
    %while3A_26 = arith.subi %div3A_23, %while3A_25 : i32
    %while3A_27 = arith.addi %while3A_25, %while3A_26 : i32
    %while3A_28 = arith.constant 1 : i32
    %while3A_29 = arith.divsi %while3A_26, %while3A_28 : i32
    %while3A_30 = arith.muli %while3A_29, %while3A_28 : i32
    %while3A_31 = arith.addi %while3A_25, %while3A_30 : i32
    %while3A_32 = arith.constant 1 : i32
    scf.for %while3A_53 = %while3A_25 to %while3A_31 step %while3A_32  : i32 {
      %mul3A_54 = arith.muli %while3A_53, %while3A_24 : i32
      %add3A_55 = arith.addi %add3A, %mul3A_54 : i32
      "tpu.region"() ({
        %run_scoped3A = tpu.sem_alloc : memref<!tpu.dma_semaphore, #tpu.memory_space<semaphore_mem>>
        %dma_start3A = arith.constant 0 : i32
        %dma_start3A_56 = tpu.memref_slice %arg3[%add3A_55, %dma_start3A] : memref<2500x128xi32, #tpu.memory_space<hbm>> -> memref<1x128xi32, #tpu.memory_space<hbm>>
        %dma_start3A_57 = tpu.memref_squeeze %dma_start3A_56 : memref<1x128xi32, #tpu.memory_space<hbm>> -> memref<128xi32, #tpu.memory_space<hbm>>
        %dma_start3A_58 = arith.constant 0 : i32
        %dma_start3A_59 = tpu.memref_slice %arg3[%add3A_55, %dma_start3A_58] : memref<2500x128xi32, #tpu.memory_space<hbm>> -> memref<1x128xi32, #tpu.memory_space<hbm>>
        %dma_start3A_60 = tpu.memref_squeeze %dma_start3A_59 : memref<1x128xi32, #tpu.memory_space<hbm>> -> memref<128xi32, #tpu.memory_space<hbm>>
        tpu.enqueue_dma source(%dma_start3A_60 : memref<128xi32, #tpu.memory_space<hbm>>) target(%arg7 : memref<128xi32, #tpu.memory_space<vmem>>) target_semaphore(%run_scoped3A : memref<!tpu.dma_semaphore, #tpu.memory_space<semaphore_mem>>)
        %dma_wait3A = arith.constant 0 : i32
        %dma_wait3A_61 = tpu.memref_slice %arg3[%add3A_55, %dma_wait3A] : memref<2500x128xi32, #tpu.memory_space<hbm>> -> memref<1x128xi32, #tpu.memory_space<hbm>>
        %dma_wait3A_62 = tpu.memref_squeeze %dma_wait3A_61 : memref<1x128xi32, #tpu.memory_space<hbm>> -> memref<128xi32, #tpu.memory_space<hbm>>
        %dma_wait3A_63 = arith.constant 0 : i32
        %dma_wait3A_64 = tpu.memref_slice %arg3[%add3A_55, %dma_wait3A_63] : memref<2500x128xi32, #tpu.memory_space<hbm>> -> memref<1x128xi32, #tpu.memory_space<hbm>>
        %dma_wait3A_65 = tpu.memref_squeeze %dma_wait3A_64 : memref<1x128xi32, #tpu.memory_space<hbm>> -> memref<128xi32, #tpu.memory_space<hbm>>
        tpu.wait_dma2 semaphore(%run_scoped3A : memref<!tpu.dma_semaphore, #tpu.memory_space<semaphore_mem>>) src(%dma_wait3A_65 : memref<128xi32, #tpu.memory_space<hbm>>) dst(%arg7 : memref<128xi32, #tpu.memory_space<vmem>>)
        tpu.yield
      }) : () -> ()
      "tpu.region"() ({
        %run_scoped3A = tpu.sem_alloc : memref<!tpu.dma_semaphore, #tpu.memory_space<semaphore_mem>>
        %dma_start3A = arith.constant 0 : i32
        %dma_start3A_56 = tpu.memref_slice %arg4[%add3A_55, %dma_start3A] : memref<2500x128xi32, #tpu.memory_space<hbm>> -> memref<1x128xi32, #tpu.memory_space<hbm>>
        %dma_start3A_57 = tpu.memref_squeeze %dma_start3A_56 : memref<1x128xi32, #tpu.memory_space<hbm>> -> memref<128xi32, #tpu.memory_space<hbm>>
        %dma_start3A_58 = arith.constant 0 : i32
        %dma_start3A_59 = tpu.memref_slice %arg4[%add3A_55, %dma_start3A_58] : memref<2500x128xi32, #tpu.memory_space<hbm>> -> memref<1x128xi32, #tpu.memory_space<hbm>>
        %dma_start3A_60 = tpu.memref_squeeze %dma_start3A_59 : memref<1x128xi32, #tpu.memory_space<hbm>> -> memref<128xi32, #tpu.memory_space<hbm>>
        tpu.enqueue_dma source(%dma_start3A_60 : memref<128xi32, #tpu.memory_space<hbm>>) target(%arg8 : memref<128xi32, #tpu.memory_space<vmem>>) target_semaphore(%run_scoped3A : memref<!tpu.dma_semaphore, #tpu.memory_space<semaphore_mem>>)
        %dma_wait3A = arith.constant 0 : i32
        %dma_wait3A_61 = tpu.memref_slice %arg4[%add3A_55, %dma_wait3A] : memref<2500x128xi32, #tpu.memory_space<hbm>> -> memref<1x128xi32, #tpu.memory_space<hbm>>
        %dma_wait3A_62 = tpu.memref_squeeze %dma_wait3A_61 : memref<1x128xi32, #tpu.memory_space<hbm>> -> memref<128xi32, #tpu.memory_space<hbm>>
        %dma_wait3A_63 = arith.constant 0 : i32
        %dma_wait3A_64 = tpu.memref_slice %arg4[%add3A_55, %dma_wait3A_63] : memref<2500x128xi32, #tpu.memory_space<hbm>> -> memref<1x128xi32, #tpu.memory_space<hbm>>
        %dma_wait3A_65 = tpu.memref_squeeze %dma_wait3A_64 : memref<1x128xi32, #tpu.memory_space<hbm>> -> memref<128xi32, #tpu.memory_space<hbm>>
        tpu.wait_dma2 semaphore(%run_scoped3A : memref<!tpu.dma_semaphore, #tpu.memory_space<semaphore_mem>>) src(%dma_wait3A_65 : memref<128xi32, #tpu.memory_space<hbm>>) dst(%arg8 : memref<128xi32, #tpu.memory_space<vmem>>)
        tpu.yield
      }) : () -> ()
      "tpu.region"() ({
        %run_scoped3A = tpu.sem_alloc : memref<!tpu.dma_semaphore, #tpu.memory_space<semaphore_mem>>
        %dma_start3A = arith.constant 0 : i32
        %dma_start3A_56 = arith.constant 0 : i32
        %dma_start3A_57 = tpu.memref_slice %arg2[%dma_start3A, %dma_start3A_56] : memref<10000x128xf32, #tpu.memory_space<hbm>> -> memref<10000x128xf32, #tpu.memory_space<hbm>>
        tpu.enqueue_indirect_dma source(%dma_start3A_57 : memref<10000x128xf32, #tpu.memory_space<hbm>>) target(%arg9 : memref<128x128xf32, #tpu.memory_space<vmem>>) offsets(%arg7 : memref<128xi32, #tpu.memory_space<vmem>>) semaphore(%run_scoped3A : memref<!tpu.dma_semaphore, #tpu.memory_space<semaphore_mem>>)
        %dma_wait3A = arith.constant 0 : i32
        %dma_wait3A_58 = arith.constant 0 : i32
        %dma_wait3A_59 = tpu.memref_slice %arg2[%dma_wait3A, %dma_wait3A_58] : memref<10000x128xf32, #tpu.memory_space<hbm>> -> memref<10000x128xf32, #tpu.memory_space<hbm>>
        tpu.wait_indirect_dma semaphore(%run_scoped3A : memref<!tpu.dma_semaphore, #tpu.memory_space<semaphore_mem>>) src(%dma_wait3A_59 : memref<10000x128xf32, #tpu.memory_space<hbm>>) dst(%arg9 : memref<128x128xf32, #tpu.memory_space<vmem>>)
        tpu.yield
      }) : () -> ()
      "tpu.region"() ({
        %run_scoped3A = tpu.sem_alloc : memref<!tpu.dma_semaphore, #tpu.memory_space<semaphore_mem>>
        %dma_start3A = arith.constant 0 : i32
        %dma_start3A_56 = arith.constant 0 : i32
        %dma_start3A_57 = tpu.memref_slice %arg10[%dma_start3A, %dma_start3A_56] : memref<10000x128xf32, #tpu.memory_space<vmem_shared>> -> memref<10000x128xf32, #tpu.memory_space<vmem_shared>>
        tpu.enqueue_indirect_dma source(%arg9 : memref<128x128xf32, #tpu.memory_space<vmem>>) target(%dma_start3A_57 : memref<10000x128xf32, #tpu.memory_space<vmem_shared>>) offsets(%arg8 : memref<128xi32, #tpu.memory_space<vmem>>) semaphore(%run_scoped3A : memref<!tpu.dma_semaphore, #tpu.memory_space<semaphore_mem>>) {add = true}
        %dma_wait3A = arith.constant 0 : i32
        %dma_wait3A_58 = arith.constant 0 : i32
        %dma_wait3A_59 = tpu.memref_slice %arg10[%dma_wait3A, %dma_wait3A_58] : memref<10000x128xf32, #tpu.memory_space<vmem_shared>> -> memref<10000x128xf32, #tpu.memory_space<vmem_shared>>
        tpu.wait_indirect_dma semaphore(%run_scoped3A : memref<!tpu.dma_semaphore, #tpu.memory_space<semaphore_mem>>) src(%arg9 : memref<128x128xf32, #tpu.memory_space<vmem>>) dst(%dma_wait3A_59 : memref<10000x128xf32, #tpu.memory_space<vmem_shared>>)
        tpu.yield
      }) : () -> ()
    }
    %while3A_33 = arith.constant 1 : i32
    scf.for %while3A_53 = %while3A_31 to %while3A_27 step %while3A_33  : i32 {
      %mul3A_54 = arith.muli %while3A_53, %while3A_24 : i32
      %add3A_55 = arith.addi %add3A, %mul3A_54 : i32
      "tpu.region"() ({
        %run_scoped3A = tpu.sem_alloc : memref<!tpu.dma_semaphore, #tpu.memory_space<semaphore_mem>>
        %dma_start3A = arith.constant 0 : i32
        %dma_start3A_56 = tpu.memref_slice %arg3[%add3A_55, %dma_start3A] : memref<2500x128xi32, #tpu.memory_space<hbm>> -> memref<1x128xi32, #tpu.memory_space<hbm>>
        %dma_start3A_57 = tpu.memref_squeeze %dma_start3A_56 : memref<1x128xi32, #tpu.memory_space<hbm>> -> memref<128xi32, #tpu.memory_space<hbm>>
        %dma_start3A_58 = arith.constant 0 : i32
        %dma_start3A_59 = tpu.memref_slice %arg3[%add3A_55, %dma_start3A_58] : memref<2500x128xi32, #tpu.memory_space<hbm>> -> memref<1x128xi32, #tpu.memory_space<hbm>>
        %dma_start3A_60 = tpu.memref_squeeze %dma_start3A_59 : memref<1x128xi32, #tpu.memory_space<hbm>> -> memref<128xi32, #tpu.memory_space<hbm>>
        tpu.enqueue_dma source(%dma_start3A_60 : memref<128xi32, #tpu.memory_space<hbm>>) target(%arg7 : memref<128xi32, #tpu.memory_space<vmem>>) target_semaphore(%run_scoped3A : memref<!tpu.dma_semaphore, #tpu.memory_space<semaphore_mem>>)
        %dma_wait3A = arith.constant 0 : i32
        %dma_wait3A_61 = tpu.memref_slice %arg3[%add3A_55, %dma_wait3A] : memref<2500x128xi32, #tpu.memory_space<hbm>> -> memref<1x128xi32, #tpu.memory_space<hbm>>
        %dma_wait3A_62 = tpu.memref_squeeze %dma_wait3A_61 : memref<1x128xi32, #tpu.memory_space<hbm>> -> memref<128xi32, #tpu.memory_space<hbm>>
        %dma_wait3A_63 = arith.constant 0 : i32
        %dma_wait3A_64 = tpu.memref_slice %arg3[%add3A_55, %dma_wait3A_63] : memref<2500x128xi32, #tpu.memory_space<hbm>> -> memref<1x128xi32, #tpu.memory_space<hbm>>
        %dma_wait3A_65 = tpu.memref_squeeze %dma_wait3A_64 : memref<1x128xi32, #tpu.memory_space<hbm>> -> memref<128xi32, #tpu.memory_space<hbm>>
        tpu.wait_dma2 semaphore(%run_scoped3A : memref<!tpu.dma_semaphore, #tpu.memory_space<semaphore_mem>>) src(%dma_wait3A_65 : memref<128xi32, #tpu.memory_space<hbm>>) dst(%arg7 : memref<128xi32, #tpu.memory_space<vmem>>)
        tpu.yield
      }) : () -> ()
      "tpu.region"() ({
        %run_scoped3A = tpu.sem_alloc : memref<!tpu.dma_semaphore, #tpu.memory_space<semaphore_mem>>
        %dma_start3A = arith.constant 0 : i32
        %dma_start3A_56 = tpu.memref_slice %arg4[%add3A_55, %dma_start3A] : memref<2500x128xi32, #tpu.memory_space<hbm>> -> memref<1x128xi32, #tpu.memory_space<hbm>>
        %dma_start3A_57 = tpu.memref_squeeze %dma_start3A_56 : memref<1x128xi32, #tpu.memory_space<hbm>> -> memref<128xi32, #tpu.memory_space<hbm>>
        %dma_start3A_58 = arith.constant 0 : i32
        %dma_start3A_59 = tpu.memref_slice %arg4[%add3A_55, %dma_start3A_58] : memref<2500x128xi32, #tpu.memory_space<hbm>> -> memref<1x128xi32, #tpu.memory_space<hbm>>
        %dma_start3A_60 = tpu.memref_squeeze %dma_start3A_59 : memref<1x128xi32, #tpu.memory_space<hbm>> -> memref<128xi32, #tpu.memory_space<hbm>>
        tpu.enqueue_dma source(%dma_start3A_60 : memref<128xi32, #tpu.memory_space<hbm>>) target(%arg8 : memref<128xi32, #tpu.memory_space<vmem>>) target_semaphore(%run_scoped3A : memref<!tpu.dma_semaphore, #tpu.memory_space<semaphore_mem>>)
        %dma_wait3A = arith.constant 0 : i32
        %dma_wait3A_61 = tpu.memref_slice %arg4[%add3A_55, %dma_wait3A] : memref<2500x128xi32, #tpu.memory_space<hbm>> -> memref<1x128xi32, #tpu.memory_space<hbm>>
        %dma_wait3A_62 = tpu.memref_squeeze %dma_wait3A_61 : memref<1x128xi32, #tpu.memory_space<hbm>> -> memref<128xi32, #tpu.memory_space<hbm>>
        %dma_wait3A_63 = arith.constant 0 : i32
        %dma_wait3A_64 = tpu.memref_slice %arg4[%add3A_55, %dma_wait3A_63] : memref<2500x128xi32, #tpu.memory_space<hbm>> -> memref<1x128xi32, #tpu.memory_space<hbm>>
        %dma_wait3A_65 = tpu.memref_squeeze %dma_wait3A_64 : memref<1x128xi32, #tpu.memory_space<hbm>> -> memref<128xi32, #tpu.memory_space<hbm>>
        tpu.wait_dma2 semaphore(%run_scoped3A : memref<!tpu.dma_semaphore, #tpu.memory_space<semaphore_mem>>) src(%dma_wait3A_65 : memref<128xi32, #tpu.memory_space<hbm>>) dst(%arg8 : memref<128xi32, #tpu.memory_space<vmem>>)
        tpu.yield
      }) : () -> ()
      "tpu.region"() ({
        %run_scoped3A = tpu.sem_alloc : memref<!tpu.dma_semaphore, #tpu.memory_space<semaphore_mem>>
        %dma_start3A = arith.constant 0 : i32
        %dma_start3A_56 = arith.constant 0 : i32
        %dma_start3A_57 = tpu.memref_slice %arg2[%dma_start3A, %dma_start3A_56] : memref<10000x128xf32, #tpu.memory_space<hbm>> -> memref<10000x128xf32, #tpu.memory_space<hbm>>
        tpu.enqueue_indirect_dma source(%dma_start3A_57 : memref<10000x128xf32, #tpu.memory_space<hbm>>) target(%arg9 : memref<128x128xf32, #tpu.memory_space<vmem>>) offsets(%arg7 : memref<128xi32, #tpu.memory_space<vmem>>) semaphore(%run_scoped3A : memref<!tpu.dma_semaphore, #tpu.memory_space<semaphore_mem>>)
        %dma_wait3A = arith.constant 0 : i32
        %dma_wait3A_58 = arith.constant 0 : i32
        %dma_wait3A_59 = tpu.memref_slice %arg2[%dma_wait3A, %dma_wait3A_58] : memref<10000x128xf32, #tpu.memory_space<hbm>> -> memref<10000x128xf32, #tpu.memory_space<hbm>>
        tpu.wait_indirect_dma semaphore(%run_scoped3A : memref<!tpu.dma_semaphore, #tpu.memory_space<semaphore_mem>>) src(%dma_wait3A_59 : memref<10000x128xf32, #tpu.memory_space<hbm>>) dst(%arg9 : memref<128x128xf32, #tpu.memory_space<vmem>>)
        tpu.yield
      }) : () -> ()
      "tpu.region"() ({
        %run_scoped3A = tpu.sem_alloc : memref<!tpu.dma_semaphore, #tpu.memory_space<semaphore_mem>>
        %dma_start3A = arith.constant 0 : i32
        %dma_start3A_56 = arith.constant 0 : i32
        %dma_start3A_57 = tpu.memref_slice %arg10[%dma_start3A, %dma_start3A_56] : memref<10000x128xf32, #tpu.memory_space<vmem_shared>> -> memref<10000x128xf32, #tpu.memory_space<vmem_shared>>
        tpu.enqueue_indirect_dma source(%arg9 : memref<128x128xf32, #tpu.memory_space<vmem>>) target(%dma_start3A_57 : memref<10000x128xf32, #tpu.memory_space<vmem_shared>>) offsets(%arg8 : memref<128xi32, #tpu.memory_space<vmem>>) semaphore(%run_scoped3A : memref<!tpu.dma_semaphore, #tpu.memory_space<semaphore_mem>>) {add = true}
        %dma_wait3A = arith.constant 0 : i32
        %dma_wait3A_58 = arith.constant 0 : i32
        %dma_wait3A_59 = tpu.memref_slice %arg10[%dma_wait3A, %dma_wait3A_58] : memref<10000x128xf32, #tpu.memory_space<vmem_shared>> -> memref<10000x128xf32, #tpu.memory_space<vmem_shared>>
        tpu.wait_indirect_dma semaphore(%run_scoped3A : memref<!tpu.dma_semaphore, #tpu.memory_space<semaphore_mem>>) src(%arg9 : memref<128x128xf32, #tpu.memory_space<vmem>>) dst(%dma_wait3A_59 : memref<10000x128xf32, #tpu.memory_space<vmem_shared>>)
        tpu.yield
      }) : () -> ()
    }
    %barrier3A_34 = arith.constant 0 : index
    tpu.barrier barrier_id(%barrier3A_34)
    %sub3A_35 = arith.constant 125 : i32
    %sub3A_36 = arith.subi %sub3A_35, %arg1 : i32
    %sub3A_37 = arith.constant 16 : i32
    %sub3A_38 = arith.constant 1 : i32
    %sub3A_39 = arith.subi %sub3A_37, %sub3A_38 : i32
    %add3A_40 = arith.addi %sub3A_36, %sub3A_39 : i32
    %div3A_41 = arith.constant 16 : i32
    %div3A_42 = arith.divsi %add3A_40, %div3A_41 : i32
    %while3A_43 = arith.constant 16 : i32
    %while3A_44 = arith.constant 0 : i32
    %while3A_45 = arith.subi %div3A_42, %while3A_44 : i32
    %while3A_46 = arith.addi %while3A_44, %while3A_45 : i32
    %while3A_47 = arith.constant 1 : i32
    %while3A_48 = arith.divsi %while3A_45, %while3A_47 : i32
    %while3A_49 = arith.muli %while3A_48, %while3A_47 : i32
    %while3A_50 = arith.addi %while3A_44, %while3A_49 : i32
    %while3A_51 = arith.constant 1 : i32
    scf.for %while3A_53 = %while3A_44 to %while3A_50 step %while3A_51  : i32 {
      %mul3A_54 = arith.muli %while3A_53, %while3A_43 : i32
      %add3A_55 = arith.addi %arg1, %mul3A_54 : i32
      %mul3A_56 = arith.constant 80 : i32
      %mul3A_57 = arith.muli %add3A_55, %mul3A_56 : i32
      %mul3A_58 = arith.constant 80 : i32
      %mul3A_59 = arith.muli %add3A_55, %mul3A_58 : i32
      "tpu.region"() ({
        %run_scoped3A = tpu.sem_alloc : memref<!tpu.dma_semaphore, #tpu.memory_space<semaphore_mem>>
        %dma_start3A = arith.constant 0 : i32
        %dma_start3A_60 = tpu.memref_slice %arg6[%arg0, %mul3A_59, %dma_start3A] : memref<2x10000x128xf32, #tpu.memory_space<hbm>> -> memref<1x80x128xf32, #tpu.memory_space<hbm>>
        %dma_start3A_61 = tpu.memref_squeeze %dma_start3A_60 : memref<1x80x128xf32, #tpu.memory_space<hbm>> -> memref<80x128xf32, #tpu.memory_space<hbm>>
        %dma_start3A_62 = arith.constant 0 : i32
        %dma_start3A_63 = tpu.memref_slice %arg10[%mul3A_57, %dma_start3A_62] : memref<10000x128xf32, #tpu.memory_space<vmem_shared>> -> memref<80x128xf32, #tpu.memory_space<vmem_shared>>
        tpu.enqueue_dma source(%dma_start3A_63 : memref<80x128xf32, #tpu.memory_space<vmem_shared>>) target(%dma_start3A_61 : memref<80x128xf32, #tpu.memory_space<hbm>>) target_semaphore(%run_scoped3A : memref<!tpu.dma_semaphore, #tpu.memory_space<semaphore_mem>>)
        %dma_wait3A = arith.constant 0 : i32
        %dma_wait3A_64 = tpu.memref_slice %arg6[%arg0, %mul3A_59, %dma_wait3A] : memref<2x10000x128xf32, #tpu.memory_space<hbm>> -> memref<1x80x128xf32, #tpu.memory_space<hbm>>
        %dma_wait3A_65 = tpu.memref_squeeze %dma_wait3A_64 : memref<1x80x128xf32, #tpu.memory_space<hbm>> -> memref<80x128xf32, #tpu.memory_space<hbm>>
        %dma_wait3A_66 = arith.constant 0 : i32
        %dma_wait3A_67 = tpu.memref_slice %arg10[%mul3A_57, %dma_wait3A_66] : memref<10000x128xf32, #tpu.memory_space<vmem_shared>> -> memref<80x128xf32, #tpu.memory_space<vmem_shared>>
        tpu.wait_dma2 semaphore(%run_scoped3A : memref<!tpu.dma_semaphore, #tpu.memory_space<semaphore_mem>>) src(%dma_wait3A_67 : memref<80x128xf32, #tpu.memory_space<vmem_shared>>) dst(%dma_wait3A_65 : memref<80x128xf32, #tpu.memory_space<hbm>>)
        tpu.yield
      }) : () -> ()
    }
    %while3A_52 = arith.constant 1 : i32
    scf.for %while3A_53 = %while3A_50 to %while3A_46 step %while3A_52  : i32 {
      %mul3A_54 = arith.muli %while3A_53, %while3A_43 : i32
      %add3A_55 = arith.addi %arg1, %mul3A_54 : i32
      %mul3A_56 = arith.constant 80 : i32
      %mul3A_57 = arith.muli %add3A_55, %mul3A_56 : i32
      %mul3A_58 = arith.constant 80 : i32
      %mul3A_59 = arith.muli %add3A_55, %mul3A_58 : i32
      "tpu.region"() ({
        %run_scoped3A = tpu.sem_alloc : memref<!tpu.dma_semaphore, #tpu.memory_space<semaphore_mem>>
        %dma_start3A = arith.constant 0 : i32
        %dma_start3A_60 = tpu.memref_slice %arg6[%arg0, %mul3A_59, %dma_start3A] : memref<2x10000x128xf32, #tpu.memory_space<hbm>> -> memref<1x80x128xf32, #tpu.memory_space<hbm>>
        %dma_start3A_61 = tpu.memref_squeeze %dma_start3A_60 : memref<1x80x128xf32, #tpu.memory_space<hbm>> -> memref<80x128xf32, #tpu.memory_space<hbm>>
        %dma_start3A_62 = arith.constant 0 : i32
        %dma_start3A_63 = tpu.memref_slice %arg10[%mul3A_57, %dma_start3A_62] : memref<10000x128xf32, #tpu.memory_space<vmem_shared>> -> memref<80x128xf32, #tpu.memory_space<vmem_shared>>
        tpu.enqueue_dma source(%dma_start3A_63 : memref<80x128xf32, #tpu.memory_space<vmem_shared>>) target(%dma_start3A_61 : memref<80x128xf32, #tpu.memory_space<hbm>>) target_semaphore(%run_scoped3A : memref<!tpu.dma_semaphore, #tpu.memory_space<semaphore_mem>>)
        %dma_wait3A = arith.constant 0 : i32
        %dma_wait3A_64 = tpu.memref_slice %arg6[%arg0, %mul3A_59, %dma_wait3A] : memref<2x10000x128xf32, #tpu.memory_space<hbm>> -> memref<1x80x128xf32, #tpu.memory_space<hbm>>
        %dma_wait3A_65 = tpu.memref_squeeze %dma_wait3A_64 : memref<1x80x128xf32, #tpu.memory_space<hbm>> -> memref<80x128xf32, #tpu.memory_space<hbm>>
        %dma_wait3A_66 = arith.constant 0 : i32
        %dma_wait3A_67 = tpu.memref_slice %arg10[%mul3A_57, %dma_wait3A_66] : memref<10000x128xf32, #tpu.memory_space<vmem_shared>> -> memref<80x128xf32, #tpu.memory_space<vmem_shared>>
        tpu.wait_dma2 semaphore(%run_scoped3A : memref<!tpu.dma_semaphore, #tpu.memory_space<semaphore_mem>>) src(%dma_wait3A_67 : memref<80x128xf32, #tpu.memory_space<vmem_shared>>) dst(%dma_wait3A_65 : memref<80x128xf32, #tpu.memory_space<hbm>>)
        tpu.yield
      }) : () -> ()
    }
    return
  }
}

</mosaic_0001>

<sc_bundles>
// kernel: _sc_agg.3.cloned.1.call-start
scs
__scs_entry_jumppad:
0x0: {  	(pc) =	sbr.rel $0x88, $3  }
0x1: {  	(tag) =	ssettag $0x0;
	lr =	simm.s32 $0x1  }
0x2: {  	[smem:$0x3F9D] =	sst lr;
	_ =	strace $0xD0000000  }
0x3: {  	_ = 	snop  }
0x4: {  	_ = 	snop  }
0x5: {  	_ = 	snop  }
0x6: {  	_ = 	snop  }
0x7: {  	_ = 	snop  }
__scs_overlays_trampoline_lowered:
0x8: {  	[smem:$0x3FAC] =	sst s0  }
0x9: {  	[smem:$0x3FAD] =	sst s1  }
0xa: {  	[smem:$0x3FAE] =	sst s2  }
0xb: {  	[smem:$0x3FAF] =	sst s3  }
0xc: {  	[smem:$0x3FB0] =	sst s4  }
0xd: {  	[smem:$0x3FB1] =	sst s5  }
0xe: {  	[smem:$0x3FB2] =	sst s6  }
0xf: {  	[smem:$0x3FB3] =	sst s7  }
0x10: {  	[smem:$0x3FB4] =	sst s8  }
0x11: {  	[smem:$0x3FB5] =	sst s9;
	s0 =	simm.s32 @!p0 $0x0  }
0x12: {  	s1 =	sld [smem:$0x3F9B];
	s0 =	simm.s32 @p0 $0x1  }
0x13: {  	[smem:$0x3FB6] =	sst s0;
	s0 =	simm.s32 @!p1 $0x0  }
0x14: {  	s2 =	sld [smem:$0x3F9A];
	s0 =	simm.s32 @p1 $0x1  }
0x15: {  	[smem:$0x3FB7] =	sst s0;
	s0 =	simm.s32 @!p2 $0x0  }
0x16: {  	s3 =	sld [smem:$0x3FDB];
	s0 =	simm.s32 @p2 $0x1  }
0x17: {  	s4 =	simm.s32 $0x1BF5;
	[smem:$0x3FB9] =	sst s0  }
0x18: {  	s0 =	sld [smem:$0x3F9C];
	_ =	swait.ge [sflag:s4], $0x0  }
0x19: {  	s7 =	sld [smem:$0x3F9D]  }
0x1a: {  	s8 =	sadd.s32 $0xFFFFE003, lr  }
0x1b: {  	s9 =	sadd.s32 $0xFFFFFEF7, lr;
	s5 =	simm.s32 $0xFFFFFFFF;
	p2 =	slt.u32 s8, $0xFFFFF086  }
0x1c: {  	p1 =	slt.u32 s9, $0xF7A;
	s5 =	simm.s32 @!p2 $0x0  }
0x1d: {  	s5 =	simm.s32 @p1 $0x1;
	p0 =	seq.s32 s7, s2  }
0x1e: {  	s7 =	smul.u32 @!p0 $0xF7A, s2;
	p2 =	seq.s32 @!p0 s5, $0x0  }
0x1f: {  	s9 =	smul.u32 $0xF7A, s1;
	s8 =	simm.s32 @!p0 $0x1BF5;
	p2 =	por !p2, p0  }
0x20: {  	[sflag:s8] =	ssyncset.s32 @!p0 $0xFFFFF086;
	s6 =	sadd.s32 @!p0 s3, s7;
	s7 =	simm.s32 @!p0 $0x108  }
0x21: {  	s3 =	sadd.s32 s3, s9;
	s6 =	sadd.s32 @!p0 $0x88, s6;
	s7 =	simm.s32 @p2 $0x1082  }
0x22: {  	[simem:s7], [sflag:s8] =	dma.local @!p0 [hbm:s6], $0xF7A  }
0x23: {  	s9 =	sor.u32 $0xD0000000, s2;
	s6 =	simm.s32 $0x108;
	_ =	swait.ge @!p0 [sflag:s8], $0x0  }
0x24: {  	s3 =	sadd.s32 $0x88, s3;
	s6 =	simm.s32 @!p1 $0x1082;
	[sflag:s4] =	ssyncset.s32 $0xFFFFF086  }
0x25: {  	[simem:s6], [sflag:s4] =	dma.local [hbm:s3], $0xF7A  }
0x26: {  	[smem:$0x3F9D] =	sst s1;
	(tag) =	ssettag s2;
	_ =	strace s9  }
0x27: {  	s1 =	sld [smem:$0x3FAD]  }
0x28: {  	s2 =	sld [smem:$0x3FAE]  }
0x29: {  	s4 =	sld [smem:$0x3FB0]  }
0x2a: {  	p0 =	seq.s32 s5, $0x0;
	s5 =	sld [smem:$0x3FB1]  }
0x2b: {  	s6 =	sld [smem:$0x3FB2]  }
0x2c: {  	s7 =	sld [smem:$0x3FB3]  }
0x2d: {  	s3 =	simm.s32 $0x108;
	s8 =	sld [smem:$0x3FB4]  }
0x2e: {  	s3 =	simm.s32 @!p0 $0x1082;
	s9 =	sld [smem:$0x3FB5]  }
0x2f: {  	lr =	sadd.s32 s0, s3;
	s0 =	sld [smem:$0x3FAC]  }
0x30: {  	s3 =	sld [smem:$0x3FAF]  }
0x31: {  	[smem:$0x3FB8] =	sst s10  }
0x32: {  	s10 =	sld [smem:$0x3FB6];
	_ =	sdelay $0x3  }
0x33: {  	p0 =	seq.s32 s10, $0x1;
	s10 =	sld [smem:$0x3FB8];
	_ =	sdelay $0x3  }
0x34: {  	[smem:$0x3FB8] =	sst s10  }
0x35: {  	s10 =	sld [smem:$0x3FB7];
	_ =	sdelay $0x3  }
0x36: {  	p1 =	seq.s32 s10, $0x1;
	s10 =	sld [smem:$0x3FB8];
	_ =	sdelay $0x3  }
0x37: {  	[smem:$0x3FB8] =	sst s10  }
0x38: {  	s10 =	sld [smem:$0x3FB9]  }
0x39: {  	_ = 	snop;
	(pc) =	sbr.ind lr, $3  }
0x3a: {  	_ = 	snop  }
0x3b: {  	_ = 	snop  }
0x3c: {  	p2 =	seq.s32 s10, $0x1;
	s10 =	sld [smem:$0x3FB8]  }
0x3d: {  	_ =	shalt  }
0x3e: {  	_ =	shalt  }
0x3f: {  	_ =	shalt  }
0x40: {  	_ =	shalt  }
0x41: {  	_ =	shalt  }
0x42: {  	_ =	shalt  }
0x43: {  	_ =	shalt  }
0x44: {  	_ =	shalt  }
0x45: {  	_ =	shalt  }
0x46: {  	_ =	shalt  }
0x47: {  	_ =	shalt  }
0x48: {  	_ =	shalt  }
0x49: {  	_ =	shalt  }
0x4a: {  	_ =	shalt  }
0x4b: {  	_ =	shalt  }
0x4c: {  	_ =	shalt  }
0x4d: {  	_ =	shalt  }
0x4e: {  	_ =	shalt  }
0x4f: {  	_ =	shalt  }
0x50: {  	_ =	shalt  }
0x51: {  	_ =	shalt  }
0x52: {  	_ =	shalt  }
0x53: {  	_ =	shalt  }
0x54: {  	_ =	shalt  }
0x55: {  	_ =	shalt  }
0x56: {  	_ =	shalt  }
0x57: {  	_ =	shalt  }
0x58: {  	_ =	shalt  }
0x59: {  	_ =	shalt  }
0x5a: {  	_ =	shalt  }
0x5b: {  	_ =	shalt  }
0x5c: {  	_ =	shalt  }
0x5d: {  	_ =	shalt  }
0x5e: {  	_ =	shalt  }
0x5f: {  	_ =	shalt  }
0x60: {  	_ =	shalt  }
0x61: {  	_ =	shalt  }
0x62: {  	_ =	shalt  }
0x63: {  	_ =	shalt  }
0x64: {  	_ =	shalt  }
0x65: {  	_ =	shalt  }
0x66: {  	_ =	shalt  }
0x67: {  	_ =	shalt  }
0x68: {  	_ =	shalt  }
0x69: {  	_ =	shalt  }
0x6a: {  	_ =	shalt  }
0x6b: {  	_ =	shalt  }
0x6c: {  	_ =	shalt  }
0x6d: {  	_ =	shalt  }
0x6e: {  	_ =	shalt  }
0x6f: {  	_ =	shalt  }
0x70: {  	_ =	shalt  }
0x71: {  	_ =	shalt  }
0x72: {  	_ =	shalt  }
0x73: {  	_ =	shalt  }
0x74: {  	_ =	shalt  }
0x75: {  	_ =	shalt  }
0x76: {  	_ =	shalt  }
0x77: {  	_ =	shalt  }
0x78: {  	_ =	shalt  }
0x79: {  	_ =	shalt  }
0x7a: {  	_ =	shalt  }
0x7b: {  	_ =	shalt  }
0x7c: {  	_ =	shalt  }
0x7d: {  	_ =	shalt  }
0x7e: {  	_ =	shalt  }
0x7f: {  	_ =	shalt  }
0x80: {  	_ =	shalt  }
0x81: {  	_ =	shalt  }
0x82: {  	_ =	shalt  }
0x83: {  	_ =	shalt  }
0x84: {  	_ =	shalt  }
0x85: {  	_ =	shalt  }
0x86: {  	_ =	shalt  }
0x87: {  	_ =	shalt  }
.Lfunc_end0:
.L_simem_size_0:
called_computation_lowered:
.L_overlay_start_0:
0x88: {  	s2 =	sld [smem:$0x3FD9]  }
0x89: {  	s3 =	sld [smem:$0x3FFE];
	_ =	sdelay $0x1  }
0x8a: {  	s1 =	srdreg.scid  }
0x8b: {  	s0 =	sand.u32 $0x1, s1  }
0x8c: {  	s18 =	sshll.u32 s0, $0xA;
	s2 =	sadd.s32 s3, s2  }
0x8d: {  	s2 =	sadd.s32 s2, s18  }
0x8e: {  	[smem:$0x3FC4] =	sst s2  }
0x8f: {  	_ = 	snop  }
0x90: {  	s2 =	sld [smem:$0x3FC9]  }
0x91: {  	s19 =	sld [smem:$0x3FC8]  }
0x92: {  	s4 =	sld [smem:$0x3FC7]  }
0x93: {  	s5 =	sld [smem:$0x3FC6]  }
0x94: {  	s6 =	sld [smem:$0x3FD0];
	(tm) =	ssettm $0x1  }
0x95: {  	s7 =	sld [smem:$0x3FFB];
	_ =	sdelay $0x3  }
0x96: {  	_ =	strace s7  }
0x97: {  	s7 =	sld [smem:$0x3FFC];
	_ =	sdelay $0x3  }
0x98: {  	_ =	strace s7  }
0x99: {  	s7 =	sld [smem:$0x3FFD];
	_ =	sdelay $0x3  }
0x9a: {  	_ =	strace s7  }
0x9b: {  	_ =	strace $0x8FFFFFFF  }
0x9c: {  	s20 =	sld [smem:$0x3FDB];
	_ =	sdelay $0x1  }
0x9d: {  	s8 =	simm.s32 $_scs_section_size  }
0x9e: {  	s9 =	simm.s32 $_size__tile_overlayer_lowered;
	s10 =	simm.s32 $_tile_overlayer_lowered  }
0x9f: {  	s23 =	simm.s32 $0x1BFF;
	s22 =	sshll.u32 s10, $0x1;
	s7 =	sadd.s32 s8, s20  }
0xa0: {  	s11 =	simm.s32 $0x0;
	s21 =	sshll.u32 s9, $0x1;
	s9 =	sadd.s32 s22, s7  }
0xa1: {  	[timem:s11], [sflag:s23] =	dma.local [hbm:s9], s21  }
0xa2: {  	_ =	swait.ge [sflag:s23], s21  }
0xa3: {  	s8 =	ssub.s32 $0x0, s21;
	[sflag:s23] =	ssyncset.done $0x0  }
0xa4: {  	[sflag:s23] =	ssyncadd.s32 s8;
	_ =	sdelay $0x1  }
0xa5: {  	s24 =	simm.s32 $0x1B8B  }
0xa6: {  	_ =	swait.ge [sflag:s24], $0x1  }
0xa7: {  	[sflag:s24] =	ssyncset.done $0x0  }
0xa8: {  	s25 =	simm.s32 $0x1B8E;
	[sflag:s24] =	ssyncadd.s32 $0xFFFFFFFF  }
0xa9: {  	s26 =	simm.s32 $execute0_lowered;
	[smem:$0x3FD2] =	sst s25  }
0xaa: {  	s8 =	sshll.u32 s26, $0x1;
	_ =	strace $0x80000046;
	[dreg:$0x1] =	wrdreg $0xFFFFFFFF  }
0xab: {  	s28 =	simm.s32 $_size_execute0_lowered;
	s7 =	sadd.s32 s7, s8;
	[dreg:$0x0] =	wrdreg $0x0  }
0xac: {  	s8 =	sshll.u32 s28, $0x1;
	[dreg:$0x2] =	wrdreg s7  }
0xad: {  	[dreg:$0x3] =	wrdreg s8  }
0xae: {  	[dreg:$0x4] =	wrdreg $0xC0  }
0xaf: {  	_ =	task [dreg:s11], $0x5FFFF  }
0xb0: {  	[dreg:$0x1] =	wrdreg $0xFFFFFFFF  }
0xb1: {  	[dreg:$0x0] =	wrdreg $0x60  }
0xb2: {  	[dreg:$0x2] =	wrdreg s2  }
0xb3: {  	[dreg:$0x3] =	wrdreg s19  }
0xb4: {  	[dreg:$0x4] =	wrdreg s4  }
0xb5: {  	[dreg:$0x5] =	wrdreg s5  }
0xb6: {  	[dreg:$0x6] =	wrdreg s6  }
0xb7: {  	[dreg:$0x7] =	wrdreg $0x41000  }
0xb8: {  	[dreg:$0x8] =	wrdreg $0x9  }
0xb9: {  	_ =	task.clear_ibuf [dreg:s11], $0x9FFFF;
	_ =	strace $0x90000046  }
0xba: {  	s29 =	simm.s32 $0x9;
	_ =	strace $0x80000048  }
0xbb: {  	_ =	swait.ge [sflag:s29], $0x1  }
0xbc: {  	[sflag:s29] =	ssyncadd.s32 $0xFFFFFFFF  }
0xbd: {  	_ =	strace $0x90000048  }
0xbe: {  	_ =	sfence  }
0xbf: {  	s30 =	sld [smem:$0x0];
	_ =	sdelay $0x2  }
0xc0: {  	s31 =	sshll.u32 s1, $0xD;
	s1 =	sshrl.u32 s1, $0x2  }
0xc1: {  	s3 =	sand.u32 $0x4000, s31;
	s1 =	sadd.s32 s1, s30  }
0xc2: {  	s0 =	sor.u32 s3, s0;
	s1 =	sshll.u32 s1, $0x11  }
0xc3: {  	s0 =	sor.u32 s1, s0  }
0xc4: {  	s0 =	sadd.s32 $0x8F2B, s0  }
0xc5: {  	[sflag:s0] =	ssyncadd.remote.s32 $0x1  }
0xc6: {  	_ =	sfence.sel $0xFFFF  }
0xc7: {  	[dreg:$0x0] =	wrdreg $0xFFFFFFFF;
	(pc) =	sbr.abs _section_cstart, $3  }
0xc8: {  	[dreg:$0x1] =	wrdreg $0xFFFFFFFF  }
0xc9: {  	_ =	task.clear_ibuf [dreg:s11], $0x2FFFF;
	_ =	strace $0x9FFFFFFF  }
0xca: {  	(tm) =	ssettm $0x7FFFFFFF  }
0xcb: {  	_ =	shalt  }
tec
execute0_lowered:
.L_overlay_start_1:
0x0: {  	(tag) =	ssettag $0x1  }
0x1: {  	s0 =	rddreg [dreg:$0x0]  }
0x2: {  	s1 =	rddreg [dreg:$0x1]  }
0x3: {  	s3 =	rddreg [dreg:$0x2]  }
0x4: {  	s4 =	rddreg [dreg:$0x3]  }
0x5: {  	s14 =	rddreg [dreg:$0x4]  }
0x6: {  	s5 =	rddreg [dreg:$0x5]  }
0x7: {  	s12 =	srdreg.scid;
	s2 =	rddreg [dreg:$0x6]  }
0x8: {  	s7 =	simm.s32 $0x0;
	s6 =	stileid.u32;
	s9 =	sand.u32 $0x1, s12  }
0x9: {  	[smem:$0x7FF] =	sst s7;
	s28 =	ssub.s32 $0x8C, s6;
	s11 =	smul.u32 $0xA000, s6  }
0xa: {  	s15 =	sshll.u32 s6, $0x7;
	s29 =	sshll.u32 s6, $0x6;
	s17 =	smul.u32 $0x2800, s6  }
0xb: {  	s18 =	sshll.u32 s12, $0xB;
	s8 =	ssub.s32 $0x2, s9;
	_ =	strace $0x80000047  }
0xc: {  	s13 =	sshll.u32 s9, $0x4;
	s16 =	smul.u32 $0x138800, s9;
	s30 =	sor.u32 s18, s15  }
0xd: {  	s15 =	simm.s32 $0x1;
	s18 =	simm.s32 $0x0;
	s10 =	sshrl.u32 s8, $0x1  }
0xe: {  	s11 =	sshrl.u32 s11, $0x2;
	s13 =	sor.u32 s13, s6;
	s10 =	ssub.s32 s8, s10  }
0xf: {  	s8 =	sshrl.u32 s28, $0x4;
	s11 =	sadd.s32 s11, s5;
	s13 =	ssub.s32 $0x9E3, s13  }
0x10: {  	s16 =	sadd.s32 s17, s16;
	s17 =	simm.s32 $0x100;
	s9 =	smax.u32 s10, $0x1  }
0x11: {  	s10 =	sor.u32 $0x1C01, s29;
	s12 =	sshrl.u32 s13, $0x5;
	s31 =	sshrl.u32 s16, $0x3  }
0x12: {  	s13 =	sand.u32 $0xF80, s30;
	s16 =	simm.s32 $0x80;
	s14 =	sadd.s32 s31, s14  }
.LBB2_1:
0x13: {  	p0 =	sne.s32 s8, $0x1  }
.Ltmp0:
0x14: {  	_ = 	snop;
	(pc) =	sbr.rel @!p0 .LBB2_3-.Ltmp0, $4  }
0x15: {  	s19 =	sshrl.u32 s11, $0x3  }
0x16: {  	[spmem:s19], [sflag:s10] =	dma.local [hbm:s4], $0x500  }
0x17: {  	_ =	swait.ge [sflag:s15], $0x500  }
0x18: {  	s20 =	sadd.s32 $0xFFFFFFFF, s8;
	s21 =	sadd.s32 $0x28000, s11;
	[sflag:s15] =	ssyncset.done $0x0  }
.LBB2_2:
0x19: {  	s22 =	sshrl.u32 s21, $0x3;
	[sflag:s15] =	ssyncadd.s32 $0xFFFFFB00;
	p1 =	sne.s32 s20, $0x1  }
0x1a: {  	[spmem:s22], [sflag:s10] =	dma.local [hbm:s4], $0x500  }
.Ltmp1:
0x1b: {  	_ = 	snop;
	(pc) =	sbr.rel @p1 .LBB2_2-.Ltmp1, $4  }
0x1c: {  	_ = 	snop  }
0x1d: {  	s20 =	sadd.s32 $0xFFFFFFFF, s20  }
0x1e: {  	_ =	swait.ge [sflag:s15], $0x500  }
0x1f: {  	s21 =	sadd.s32 $0x28000, s21;
	[sflag:s15] =	ssyncset.done $0x0  }
.LBB2_3:
0x20: {  	p2 =	sne.s32 s12, $0x1  }
.Ltmp2:
0x21: {  	_ = 	snop;
	(pc) =	sbr.rel @!p2 .LBB2_6-.Ltmp2, $4  }
0x22: {  	_ = 	snop  }
0x23: {  	[sflag:s15] =	ssyncadd.s32 $0xFFFFFB00  }
0x24: {  	[bflag:$0x0] =	sbarrier.arrive $0xFFFF  }
0x25: {  	s20 =	sadd.s32 $0xFFFFFFFF, s12;
	s22 =	sshrl.u32 s13, $0x3;
	p1 =	por $0x0, $0x0  }
0x26: {  	s21 =	sadd.s32 s1, s22  }
0x27: {  	[tilespmem:s7], [sflag:$0x1] =	stream.linear.gather [hbm4b:s21+s7], $0x80, $0x38;
	[tilespmem:$0x17980] =	vst v63  }
0x28: {  	_ =	swait.ge [sflag:s15], $0x80  }
0x29: {  	[sflag:s15] =	ssyncset.done $0x0  }
0x2a: {  	s31 =	sadd.s32 s3, s22;
	[sflag:s15] =	ssyncadd.s32 $0xFFFFFF80  }
0x2b: {  	[tilespmem:s16], [sflag:$0x1] =	stream.linear.gather [hbm4b:s31+s7], $0x80, $0x38;
	[tilespmem:$0x17980] =	vst v63  }
0x2c: {  	_ =	swait.ge [sflag:s15], $0x80  }
0x2d: {  	[sflag:s15] =	ssyncset.done $0x0  }
0x2e: {  	[sflag:s15] =	ssyncadd.s32 $0xFFFFFF80  }
0x2f: {  	[tilespmem:s17], [sflag:$0x1] =	stream.indirect.gather [hbm4b:s0+s16], $0x80, s7, s16, $0xb8;
	[tilespmem:$0x17980] =	vst v63  }
0x30: {  	p2 =	sne.s32 s20, $0x1;
	_ =	swait.ge [sflag:s15], $0x4000  }
.Ltmp3:
0x31: {  	[sflag:s15] =	ssyncset.done $0x0;
	(pc) =	sbr.rel @!p2 .LBB2_6-.Ltmp3, $4  }
0x32: {  	[sflag:s15] =	ssyncadd.s32 $0xFFFFC000  }
0x33: {  	[spmem:s5] =	stream.indirect.scatter.add.f32 [tilespmem:s17], [sflag:$0x1], $0x80, s16, s16, $0xb8;
	[tilespmem:$0x17980] =	vst v63  }
0x34: {  	s20 =	sadd.s32 $0xFFFFFFFF, s20;
	s21 =	sadd.s32 $0x1000, s13;
	_ =	swait.ge [sflag:s15], $0x4000  }
0x35: {  	p1 =	por $0x1, $0x1;
	s22 =	sshrl.u32 s21, $0x3;
	[sflag:s15] =	ssyncset.done $0x0  }
.LBB2_5:
0x36: {  	p2 =	sne.s32 s20, $0x1;
	s23 =	sadd.s32 s1, s22;
	[sflag:s15] =	ssyncadd.s32 $0xFFFFC000  }
0x37: {  	[tilespmem:s7], [sflag:$0x1] =	stream.linear.gather [hbm4b:s23+s7], $0x80, $0x38;
	[tilespmem:$0x17980] =	vst v63  }
0x38: {  	s20 =	sadd.s32 $0xFFFFFFFF, s20;
	_ =	swait.ge [sflag:s15], $0x80  }
0x39: {  	[sflag:s15] =	ssyncset.done $0x0  }
0x3a: {  	s22 =	sadd.s32 s3, s22;
	[sflag:s15] =	ssyncadd.s32 $0xFFFFFF80  }
0x3b: {  	[tilespmem:s16], [sflag:$0x1] =	stream.linear.gather [hbm4b:s22+s7], $0x80, $0x38;
	[tilespmem:$0x17980] =	vst v63  }
0x3c: {  	_ =	swait.ge [sflag:s15], $0x80  }
0x3d: {  	[sflag:s15] =	ssyncset.done $0x0  }
0x3e: {  	[sflag:s15] =	ssyncadd.s32 $0xFFFFFF80  }
0x3f: {  	[tilespmem:s17], [sflag:$0x1] =	stream.indirect.gather [hbm4b:s0+s16], $0x80, s7, s16, $0xb8;
	[tilespmem:$0x17980] =	vst v63  }
0x40: {  	_ =	swait.ge [sflag:s15], $0x4000  }
.Ltmp4:
0x41: {  	[sflag:s15] =	ssyncset.done $0x0;
	(pc) =	sbr.rel @p2 .LBB2_5-.Ltmp4, $4  }
0x42: {  	[sflag:s15] =	ssyncadd.s32 $0xFFFFC000  }
0x43: {  	[spmem:s5] =	stream.indirect.scatter.add.f32 [tilespmem:s17], [sflag:$0x1], $0x80, s16, s16, $0xb8;
	[tilespmem:$0x17980] =	vst v63  }
0x44: {  	s21 =	sadd.s32 $0x1000, s21;
	_ =	swait.ge [sflag:s15], $0x4000  }
0x45: {  	s22 =	sshrl.u32 s21, $0x3;
	[sflag:s15] =	ssyncset.done $0x0  }
.LBB2_6:
0x46: {  	s20 =	sadd.s32 s1, s22;
	[sflag:s15] =	ssyncadd.s32 @p1 $0xFFFFC000  }
0x47: {  	[tilespmem:s7], [sflag:$0x1] =	stream.linear.gather [hbm4b:s20+s7], $0x80, $0x38;
	[tilespmem:$0x17980] =	vst v63  }
0x48: {  	_ =	swait.ge [sflag:s15], $0x80  }
0x49: {  	[sflag:s15] =	ssyncset.done $0x0  }
0x4a: {  	s31 =	sadd.s32 s3, s22;
	[sflag:s15] =	ssyncadd.s32 $0xFFFFFF80  }
0x4b: {  	[tilespmem:s16], [sflag:$0x1] =	stream.linear.gather [hbm4b:s31+s7], $0x80, $0x38;
	[tilespmem:$0x17980] =	vst v63  }
0x4c: {  	_ =	swait.ge [sflag:s15], $0x80  }
0x4d: {  	[sflag:s15] =	ssyncset.done $0x0  }
0x4e: {  	[sflag:s15] =	ssyncadd.s32 $0xFFFFFF80  }
0x4f: {  	[tilespmem:s17], [sflag:$0x1] =	stream.indirect.gather [hbm4b:s0+s16], $0x80, s7, s16, $0xb8;
	[tilespmem:$0x17980] =	vst v63  }
0x50: {  	_ =	swait.ge [sflag:s15], $0x4000  }
0x51: {  	[sflag:s15] =	ssyncset.done $0x0  }
0x52: {  	[sflag:s15] =	ssyncadd.s32 $0xFFFFC000  }
0x53: {  	[spmem:s5] =	stream.indirect.scatter.add.f32 [tilespmem:s17], [sflag:$0x1], $0x80, s16, s16, $0xb8;
	[tilespmem:$0x17980] =	vst v63  }
0x54: {  	_ =	swait.ge [sflag:s15], $0x4000  }
0x55: {  	[sflag:s15] =	ssyncset.done $0x0  }
.Ltmp5:
0x56: {  	[sflag:s15] =	ssyncadd.s32 $0xFFFFC000;
	(pc) =	sbr.rel @!p0 .LBB2_8-.Ltmp5, $4  }
0x57: {  	[bflag:$0x0] =	sbarrier.arrive $0xFFFF  }
0x58: {  	[hbm:s14], [sflag:s10] =	dma.local [spmem:s19], $0x500  }
0x59: {  	s21 =	smov.u32 s14;
	_ =	swait.ge [sflag:s15], $0x500  }
0x5a: {  	s20 =	sadd.s32 $0x28000, s11;
	s19 =	sadd.s32 $0xFFFFFFFF, s8;
	[sflag:s15] =	ssyncset.done $0x0  }
.LBB2_7:
0x5b: {  	s22 =	sshrl.u32 s20, $0x3  }
0x5c: {  	[sflag:s15] =	ssyncadd.s32 $0xFFFFFB00;
	s21 =	sadd.s32 $0x5000, s21;
	p0 =	sne.s32 s19, $0x1  }
0x5d: {  	[hbm:s21], [sflag:s10] =	dma.local [spmem:s22], $0x500  }
.Ltmp6:
0x5e: {  	_ = 	snop;
	(pc) =	sbr.rel @p0 .LBB2_7-.Ltmp6, $4  }
0x5f: {  	_ = 	snop  }
0x60: {  	s19 =	sadd.s32 $0xFFFFFFFF, s19  }
0x61: {  	_ =	swait.ge [sflag:s15], $0x500  }
0x62: {  	s20 =	sadd.s32 $0x28000, s20;
	[sflag:s15] =	ssyncset.done $0x0  }
.LBB2_8:
0x63: {  	s18 =	sadd.s32 $0x1, s18  }
0x64: {  	p0 =	sne.s32 s18, s9  }
.Ltmp7:
0x65: {  	_ = 	snop;
	(pc) =	sbr.rel @p0 .LBB2_1-.Ltmp7, $2  }
0x66: {  	_ =	sdelay $0x2  }
0x67: {  	[sflag:s15] =	ssyncadd.s32 $0xFFFFFB00  }
0x68: {  	_ =	sfence.sel $0x180000  }
0x69: {  	[bflag:$0x0] =	sbarrier.arrive $0xFFFF  }
0x6a: {  	p0 =	sne.s32 s6, $0x0;
	_ =	strace $0x90000047  }
0x6b: {  	s0 =	sadd.s32 @!p0 $0x100000, s2;
	[bflag:$0x2] =	sbarrier.arrive $0xFFFF  }
0x6c: {  	[sflag:s0] =	ssyncadd.tile.s32 @!p0 $0x1;
	_ =	shalt  }
.Lfunc_end2:
_tile_overlayer_lowered:
.L_overlay_start_2:
0x6d: {  	(tag) =	ssettag $0x2  }
0x6e: {  	s0 =	rddreg [dreg:$0x0];
	s2 =	stileid.u32  }
0x6f: {  	s1 =	rddreg [dreg:$0x1];
	p0 =	sne.s32 s2, $0x0  }
0x70: {  	s3 =	rddreg [dreg:$0x2];
	[bflag:$0x3] =	sbarrier.arrive $0xFFFF;
	s2 =	simm.s32 @!p0 $0x1C01  }
0x71: {  	[timem:s3], [sflag:s2] =	dma.local @!p0 [hbm:s0], s1  }
0x72: {  	s0 =	simm.s32 @!p0 $0x1  }
0x73: {  	_ =	swait.ge @!p0 [sflag:s0], s1  }
0x74: {  	s1 =	ssub.s32 @!p0 $0x0, s1;
	[sflag:s0] =	ssyncset.done @!p0 $0x0  }
0x75: {  	[sflag:s0] =	ssyncadd.s32 @!p0 s1  }
0x76: {  	[bflag:$0x3] =	sbarrier.arrive $0xFFFF  }
0x77: {  	_ =	shalt  }

</sc_bundles>
